<compile_context>
chip_gen: v7x
topology: tpu7x:2x2x1
jax: 0.10.2.dev20260603
libtpu: 0.0.44.dev20260713+nightly
codegen_flags: <defaults>
</compile_context>

<pallas_src>
import functools
import math

import jax
import jax.numpy as jnp
from jax import lax
from jax.experimental import pallas as pl
from jax.experimental.pallas import tpu as pltpu
from jax.experimental.pallas import tpu_sc as plsc

_M = 0.1
_LN = math.log(1.0 - _M)

_B = 4096
_F = 128
_RB = 1024
_NB = _B // _RB


def _sc_gather(mem, targets):
    info = plsc.get_sparse_core_info()
    nw = info.num_cores * info.num_subcores
    bpw = _B // nw
    mesh = plsc.VectorSubcoreMesh(core_axis_name="c", subcore_axis_name="s")

    @functools.partial(
        pl.kernel,
        mesh=mesh,
        out_type=jax.ShapeDtypeStruct((_B, _F), jnp.float32),
        scratch_types=[
            pltpu.VMEM((bpw,), jnp.int32),
            pltpu.VMEM((bpw, _F), jnp.float32),
            pltpu.SemaphoreType.DMA,
        ],
    )
    def k(table_hbm, idx_hbm, out_hbm, idx_v, rows_v, sem):
        wid = lax.axis_index("s") * info.num_cores + lax.axis_index("c")
        base = wid * bpw
        pltpu.sync_copy(idx_hbm.at[pl.ds(base, bpw)], idx_v)
        pltpu.async_copy(table_hbm.at[idx_v], rows_v, sem).wait()
        pltpu.sync_copy(rows_v, out_hbm.at[pl.ds(base, bpw)])

    return k(mem, targets)


_CMAX = 200.0


def _tc_body(t_sub_ref, t_lane_ref, r_ref, g_ref, o_ref, rp_scr, maxc_ref):
    i = pl.program_id(0)
    r0 = i * _RB
    t_row = t_sub_ref[pl.ds(r0, _RB), :]
    t_col_i = t_lane_ref[pl.ds(i, 1), :]
    row_iota = lax.broadcasted_iota(jnp.int32, (_RB, _RB), 0)
    col_iota = lax.broadcasted_iota(jnp.int32, (_RB, _RB), 1)

    eq_diag = t_row == t_col_i
    mask_strict = eq_diag & (col_iota < row_iota)
    ws = jnp.where(mask_strict, 1.0, 0.0)

    def ablk(l, acc):
        t_chunk = t_lane_ref[pl.ds(l, 1), :]
        w = jnp.where(t_row == t_chunk, 1.0, 0.0)
        return acc + lax.dot_general(
            w, rp_scr[pl.ds(l * _RB, _RB), :], (((1,), (0,)), ((), ())),
            preferred_element_type=jnp.float32)

    acc = lax.fori_loop(0, i, ablk, jnp.zeros((_RB, _F + 8), jnp.float32))
    cntd = lax.dot_general(
        ws, jnp.where(lax.broadcasted_iota(jnp.int32, (_RB, 8), 1) == 0,
                      1.0, 0.0),
        (((1,), (0,)), ((), ())), preferred_element_type=jnp.float32)
    c_row = acc[:, _F:_F + 1] + cntd[:, 0:1]

    mx = jnp.max(c_row)
    mxc = jnp.where(i == 0, mx, jnp.maximum(maxc_ref[0], mx))
    maxc_ref[0] = mxc
    ones_pad = jnp.where(
        lax.broadcasted_iota(jnp.int32, (_RB, 8), 1) == 0, 1.0, 0.0)

    def fast(_):
        r_i = r_ref[pl.ds(r0, _RB), :]
        rp_i = (_M * jnp.exp(-_LN * c_row)) * r_i
        rp_scr[pl.ds(r0, _RB), 0:_F] = rp_i
        rp_scr[pl.ds(r0, _RB), _F:_F + 8] = ones_pad
        acc_d = lax.dot_general(
            ws, rp_i, (((1,), (0,)), ((), ())),
            preferred_element_type=jnp.float32)
        return (jnp.exp(_LN * c_row) * (acc[:, 0:_F] + acc_d)
                + _M * r_i
                + jnp.exp(_LN * (c_row + 1.0)) * g_ref[...])

    def slow(_):
        def c_lane_for(l):
            t_chunk = t_lane_ref[pl.ds(l, 1), :]

            def inner(lp, a):
                t_rows = t_sub_ref[pl.ds(lp * _RB, _RB), :]
                m = (t_rows == t_chunk) & jnp.logical_or(
                    lp < l, row_iota < col_iota)
                return a + jnp.sum(m.astype(jnp.float32), axis=0,
                                   keepdims=True)

            return lax.fori_loop(0, l + 1, inner,
                                 jnp.zeros((1, _RB), jnp.float32))

        def wblk(l, acc):
            t_chunk = t_lane_ref[pl.ds(l, 1), :]
            mask = t_row == t_chunk
            d = c_row - c_lane_for(l)
            w = jnp.where(mask, _M * jnp.exp(d * _LN), 0.0)
            rb = r_ref[pl.ds(l * _RB, _RB), :]
            return acc + lax.dot_general(
                w, rb, (((1,), (0,)), ((), ())),
                preferred_element_type=jnp.float32)

        rp_scr[pl.ds(r0, _RB), 0:_F] = jnp.zeros((_RB, _F), jnp.float32)
        rp_scr[pl.ds(r0, _RB), _F:_F + 8] = ones_pad
        a = lax.fori_loop(0, i, wblk, jnp.zeros((_RB, _F), jnp.float32))
        d = c_row - c_lane_for(i)
        mask_diag = eq_diag & (col_iota <= row_iota)
        w = jnp.where(mask_diag, _M * jnp.exp(d * _LN), 0.0)
        a = a + lax.dot_general(
            w, r_ref[pl.ds(r0, _RB), :], (((1,), (0,)), ((), ())),
            preferred_element_type=jnp.float32,
            precision=lax.Precision.HIGHEST)
        return jnp.exp((c_row + 1.0) * _LN) * g_ref[...] + a

    o_ref[...] = lax.cond(mxc <= _CMAX, fast, slow, 0)


def _tc_call(t_sub, t_lane, responses, g, interpret=False):
    return pl.pallas_call(
        _tc_body,
        grid=(_NB,),
        in_specs=[
            pl.BlockSpec((_B, 1), lambda i: (0, 0)),
            pl.BlockSpec((_NB, _RB), lambda i: (0, 0)),
            pl.BlockSpec((_B, _F), lambda i: (0, 0)),
            pl.BlockSpec((_RB, _F), lambda i: (i, 0)),
        ],
        out_specs=pl.BlockSpec((_RB, _F), lambda i: (i, 0)),
        out_shape=jax.ShapeDtypeStruct((_B, _F), jnp.float32),
        scratch_shapes=[pltpu.VMEM((_B, _F + 8), jnp.float32),
                        pltpu.SMEM((1,), jnp.float32)],
        interpret=interpret,
    )(t_sub, t_lane, responses, g)


def kernel(responses, targets, mem):
    targets = targets.astype(jnp.int32)
    g = _sc_gather(mem, targets)
    t_sub = targets.reshape(_B, 1)
    t_lane = targets.reshape(_NB, _RB)
    return _tc_call(t_sub, t_lane, responses, g)

# --- scband reference (transcript-rebuilt; emitter-appended) ---
"""Pipeline reference for scband-class-wise-response-memory-48120813585096 (READ-ONLY COPY).

The authoritative reference and input builder live on the scoring server;
editing this copy changes nothing except your own understanding.
"""

import jax, jax.numpy as jnp
import numpy as np

NUM_CLASSES = 100000
NUM_FEATURES = 128
BATCH = 4096
MOMENTUM = 0.1


def setup_inputs(seed: int = 0) -> dict:
    key = jax.random.key(seed)
    k1, k2, k3 = jax.random.split(key, 3)
    responses = jax.random.normal(k1, (BATCH, NUM_FEATURES), dtype=jnp.float32)
    targets = jax.random.randint(k2, (BATCH,), 0, NUM_CLASSES, dtype=jnp.int32)
    # per-class running-mean memory (module state); assume all classes warm (count > start)
    mem = jax.random.normal(k3, (NUM_CLASSES, NUM_FEATURES), dtype=jnp.float32)
    return {"responses": responses, "targets": targets, "mem": mem}


def reference(responses, targets, mem):
    # Faithful sequential semantics of ClassWiseResponseMemory.update in training mode
    # with update_interval=1, start=0, and warm memory (count > start for all classes):
    # for each (response, target) in order:
    #   mem[target] = (1 - momentum) * mem[target] + momentum * response
    #   lst_mean.append(mem[target])
    # Returns the stacked per-sample means (what gets appended to inter_mean).
    def step(m, inp):
        r, t = inp
        new = (1.0 - MOMENTUM) * m[t] + MOMENTUM * r
        m = m.at[t].set(new)
        return m, new

    mem_final, means = jax.lax.scan(step, mem, (responses, targets))
    return means

if __name__ == "__main__":
    import jax
    _d = setup_inputs()
    print(jax.jit(kernel)(*tuple(_d.values())))

</pallas_src>

<mosaic_0001>
#map = affine_map<(d0, d1) -> (0, 0)>
#map1 = affine_map<(d0, d1) -> (0)>
module attributes {stable_mosaic.version = 14 : i64} {
  func.func @k(%arg0: i32, %arg1: i32, %arg2: memref<100000x128xf32, #tpu.memory_space<hbm>>, %arg3: memref<4096xi32, #tpu.memory_space<hbm>>, %arg4: memref<4096x128xf32, #tpu.memory_space<hbm>>, %arg5: memref<128xi32, #tpu.memory_space<vmem>>, %arg6: memref<128x128xf32, #tpu.memory_space<vmem>>, %arg7: memref<!tpu.dma_semaphore, #tpu.memory_space<semaphore_mem>>) attributes {dimension_semantics = [#tpu.dimension_semantics<core_parallel>, #tpu.dimension_semantics<subcore_parallel>], iteration_bounds = array<i64: 2, 16>, scalar_prefetch = 0 : i64, scratch_operands = 3 : i64, tpu.core_type = #tpu.core_type<sc_vector_subcore>, window_params = [{transform_indices = #map}, {transform_indices = #map1}, {transform_indices = #map}]} {
    %mul3A = arith.constant 2 : i32
    %mul3A_0 = arith.muli %arg1, %mul3A : i32
    %add3A = arith.addi %mul3A_0, %arg0 : i32
    %mul3A_1 = arith.constant 128 : i32
    %mul3A_2 = arith.muli %add3A, %mul3A_1 : i32
    "tpu.region"() ({
      %run_scoped3A = tpu.sem_alloc : memref<!tpu.dma_semaphore, #tpu.memory_space<semaphore_mem>>
      %dma_start3A_7 = tpu.memref_slice %arg3[%mul3A_2] : memref<4096xi32, #tpu.memory_space<hbm>> -> memref<128xi32, #tpu.memory_space<hbm>>
      %dma_start3A_8 = tpu.memref_slice %arg3[%mul3A_2] : memref<4096xi32, #tpu.memory_space<hbm>> -> memref<128xi32, #tpu.memory_space<hbm>>
      tpu.enqueue_dma source(%dma_start3A_8 : memref<128xi32, #tpu.memory_space<hbm>>) target(%arg5 : memref<128xi32, #tpu.memory_space<vmem>>) target_semaphore(%run_scoped3A : memref<!tpu.dma_semaphore, #tpu.memory_space<semaphore_mem>>)
      %dma_wait3A_9 = tpu.memref_slice %arg3[%mul3A_2] : memref<4096xi32, #tpu.memory_space<hbm>> -> memref<128xi32, #tpu.memory_space<hbm>>
      %dma_wait3A_10 = tpu.memref_slice %arg3[%mul3A_2] : memref<4096xi32, #tpu.memory_space<hbm>> -> memref<128xi32, #tpu.memory_space<hbm>>
      tpu.wait_dma2 semaphore(%run_scoped3A : memref<!tpu.dma_semaphore, #tpu.memory_space<semaphore_mem>>) src(%dma_wait3A_10 : memref<128xi32, #tpu.memory_space<hbm>>) dst(%arg5 : memref<128xi32, #tpu.memory_space<vmem>>)
      tpu.yield
    }) : () -> ()
    %dma_start3A = arith.constant 0 : i32
    %dma_start3A_3 = arith.constant 0 : i32
    %dma_start3A_4 = tpu.memref_slice %arg2[%dma_start3A, %dma_start3A_3] : memref<100000x128xf32, #tpu.memory_space<hbm>> -> memref<100000x128xf32, #tpu.memory_space<hbm>>
    tpu.enqueue_indirect_dma source(%dma_start3A_4 : memref<100000x128xf32, #tpu.memory_space<hbm>>) target(%arg6 : memref<128x128xf32, #tpu.memory_space<vmem>>) offsets(%arg5 : memref<128xi32, #tpu.memory_space<vmem>>) semaphore(%arg7 : memref<!tpu.dma_semaphore, #tpu.memory_space<semaphore_mem>>)
    %dma_wait3A = arith.constant 0 : i32
    %dma_wait3A_5 = arith.constant 0 : i32
    %dma_wait3A_6 = tpu.memref_slice %arg2[%dma_wait3A, %dma_wait3A_5] : memref<100000x128xf32, #tpu.memory_space<hbm>> -> memref<100000x128xf32, #tpu.memory_space<hbm>>
    tpu.wait_indirect_dma semaphore(%arg7 : memref<!tpu.dma_semaphore, #tpu.memory_space<semaphore_mem>>) src(%dma_wait3A_6 : memref<100000x128xf32, #tpu.memory_space<hbm>>) dst(%arg6 : memref<128x128xf32, #tpu.memory_space<vmem>>)
    "tpu.region"() ({
      %run_scoped3A = tpu.sem_alloc : memref<!tpu.dma_semaphore, #tpu.memory_space<semaphore_mem>>
      %dma_start3A_7 = arith.constant 0 : i32
      %dma_start3A_8 = tpu.memref_slice %arg4[%mul3A_2, %dma_start3A_7] : memref<4096x128xf32, #tpu.memory_space<hbm>> -> memref<128x128xf32, #tpu.memory_space<hbm>>
      %dma_start3A_9 = arith.constant 0 : i32
      %dma_start3A_10 = tpu.memref_slice %arg4[%mul3A_2, %dma_start3A_9] : memref<4096x128xf32, #tpu.memory_space<hbm>> -> memref<128x128xf32, #tpu.memory_space<hbm>>
      tpu.enqueue_dma source(%arg6 : memref<128x128xf32, #tpu.memory_space<vmem>>) target(%dma_start3A_10 : memref<128x128xf32, #tpu.memory_space<hbm>>) target_semaphore(%run_scoped3A : memref<!tpu.dma_semaphore, #tpu.memory_space<semaphore_mem>>)
      %dma_wait3A_11 = arith.constant 0 : i32
      %dma_wait3A_12 = tpu.memref_slice %arg4[%mul3A_2, %dma_wait3A_11] : memref<4096x128xf32, #tpu.memory_space<hbm>> -> memref<128x128xf32, #tpu.memory_space<hbm>>
      %dma_wait3A_13 = arith.constant 0 : i32
      %dma_wait3A_14 = tpu.memref_slice %arg4[%mul3A_2, %dma_wait3A_13] : memref<4096x128xf32, #tpu.memory_space<hbm>> -> memref<128x128xf32, #tpu.memory_space<hbm>>
      tpu.wait_dma2 semaphore(%run_scoped3A : memref<!tpu.dma_semaphore, #tpu.memory_space<semaphore_mem>>) src(%arg6 : memref<128x128xf32, #tpu.memory_space<vmem>>) dst(%dma_wait3A_14 : memref<128x128xf32, #tpu.memory_space<hbm>>)
      tpu.yield
    }) : () -> ()
    return
  }
}

module attributes {stable_mosaic.version = 14 : i64} {
  func.func @_tc_body(%arg0: i32, %arg1: memref<4096x1xi32, #tpu.memory_space<vmem>>, %arg2: memref<4x1024xi32, #tpu.memory_space<vmem>>, %arg3: memref<4096x128xf32, #tpu.memory_space<vmem>>, %arg4: memref<1024x128xf32, #tpu.memory_space<vmem>>, %arg5: memref<1024x128xf32, #tpu.memory_space<vmem>>, %arg6: memref<4096x136xf32, #tpu.memory_space<vmem>>, %arg7: memref<1xf32, #tpu.memory_space<smem>>) attributes {dimension_semantics = [#tpu.dimension_semantics<arbitrary>], iteration_bounds = array<i64: 4>, scalar_prefetch = 0 : i64, scratch_operands = 2 : i64, tpu.core_type = #tpu.core_type<tc>, window_params = [{pipeline_mode = #tpu.pipeline_mode<synchronous>, transform_indices = @transform_0, window_bounds = array<i64: 4096, 1>}, {pipeline_mode = #tpu.pipeline_mode<synchronous>, transform_indices = @transform_1, window_bounds = array<i64: 4, 1024>}, {pipeline_mode = #tpu.pipeline_mode<synchronous>, transform_indices = @transform_2, window_bounds = array<i64: 4096, 128>}, {transform_indices = @transform_3, window_bounds = array<i64: 1024, 128>}, {transform_indices = @transform_4, window_bounds = array<i64: 1024, 128>}]} {
    %mul3A = arith.constant 1024 : i32
    %mul3A_0 = arith.muli %arg0, %mul3A : i32
    %get3A = arith.index_cast %mul3A_0 : i32 to index
    %get3A_1 = arith.constant 0 : index
    %get3A_2 = vector.load %arg1[%get3A, %get3A_1] : memref<4096x1xi32, #tpu.memory_space<vmem>>, vector<1024x1xi32>
    %get3A_3 = arith.index_cast %arg0 : i32 to index
    %get3A_4 = arith.constant 0 : index
    %get3A_5 = vector.load %arg2[%get3A_3, %get3A_4] : memref<4x1024xi32, #tpu.memory_space<vmem>>, vector<1x1024xi32>
    %iota3A = tpu.iota {dimensions = array<i32: 0>} : vector<1024x1024xi32>
    %iota3A_6 = tpu.iota {dimensions = array<i32: 1>} : vector<1024x1024xi32>
    %eq3A = vector.broadcast %get3A_2 : vector<1024x1xi32> to vector<1024x1024xi32>
    %eq3A_7 = vector.broadcast %get3A_5 : vector<1x1024xi32> to vector<1024x1024xi32>
    %eq3A_8 = arith.cmpi eq, %eq3A, %eq3A_7 : vector<1024x1024xi32>
    %lt3A = arith.cmpi slt, %iota3A_6, %iota3A : vector<1024x1024xi32>
    %and3A = arith.andi %eq3A_8, %lt3A : vector<1024x1024xi1>
    %jit3A = arith.constant 1.000000e+00 : f32
    %jit3A_9 = arith.constant 0.000000e+00 : f32
    %broadcast_in_dim3A = vector.broadcast %jit3A : f32 to vector<1024x1024xf32>
    %broadcast_in_dim3A_10 = vector.broadcast %jit3A_9 : f32 to vector<1024x1024xf32>
    %select_n3A = arith.select %and3A, %broadcast_in_dim3A, %broadcast_in_dim3A_10 : vector<1024x1024xi1>, vector<1024x1024xf32>
    %broadcast_in_dim3A_11 = arith.constant 0.000000e+00 : f32
    %broadcast_in_dim3A_12 = vector.broadcast %broadcast_in_dim3A_11 : f32 to vector<1024x136xf32>
    %while3A = arith.constant 0 : i32
    %while3A_13 = arith.subi %arg0, %while3A : i32
    %while3A_14 = arith.addi %while3A, %while3A_13 : i32
    %while3A_15 = arith.constant 1 : i32
    %while3A_16 = arith.divsi %while3A_13, %while3A_15 : i32
    %while3A_17 = arith.muli %while3A_16, %while3A_15 : i32
    %while3A_18 = arith.addi %while3A, %while3A_17 : i32
    %while3A_19 = arith.constant 1 : i32
    %while3A_20 = scf.for %while3A_59 = %while3A to %while3A_18 step %while3A_19 iter_args(%while3A_60 = %broadcast_in_dim3A_12) -> (vector<1024x136xf32>)  : i32 {
      %get3A_61 = arith.index_cast %while3A_59 : i32 to index
      %get3A_62 = arith.constant 0 : index
      %get3A_63 = vector.load %arg2[%get3A_61, %get3A_62] : memref<4x1024xi32, #tpu.memory_space<vmem>>, vector<1x1024xi32>
      %eq3A_64 = vector.broadcast %get3A_2 : vector<1024x1xi32> to vector<1024x1024xi32>
      %eq3A_65 = vector.broadcast %get3A_63 : vector<1x1024xi32> to vector<1024x1024xi32>
      %eq3A_66 = arith.cmpi eq, %eq3A_64, %eq3A_65 : vector<1024x1024xi32>
      %jit3A_67 = arith.constant 1.000000e+00 : f32
      %jit3A_68 = arith.constant 0.000000e+00 : f32
      %broadcast_in_dim3A_69 = vector.broadcast %jit3A_67 : f32 to vector<1024x1024xf32>
      %broadcast_in_dim3A_70 = vector.broadcast %jit3A_68 : f32 to vector<1024x1024xf32>
      %select_n3A_71 = arith.select %eq3A_66, %broadcast_in_dim3A_69, %broadcast_in_dim3A_70 : vector<1024x1024xi1>, vector<1024x1024xf32>
      %mul3A_72 = arith.constant 1024 : i32
      %mul3A_73 = arith.muli %while3A_59, %mul3A_72 : i32
      %get3A_74 = arith.index_cast %mul3A_73 : i32 to index
      %get3A_75 = arith.constant 0 : index
      %get3A_76 = vector.load %arg6[%get3A_74, %get3A_75] : memref<4096x136xf32, #tpu.memory_space<vmem>>, vector<1024x136xf32>
      %dot_general3A_77 = arith.constant dense<0.000000e+00> : vector<1024x136xf32>
      %dot_general3A_78 = tpu.matmul %select_n3A_71, %get3A_76, %dot_general3A_77 {dimension_numbers = #tpu.dot_dimension_numbers<[1], [0], [0], [1], [0, 0, 1, 1], [], []>, transpose_lhs_hint = false} : vector<1024x1024xf32>, vector<1024x136xf32>, vector<1024x136xf32> -> vector<1024x136xf32>
      %add3A_79 = arith.addf %while3A_60, %dot_general3A_78 : vector<1024x136xf32>
      scf.yield %add3A_79 : vector<1024x136xf32>
    }
    %while3A_21 = arith.constant 1 : i32
    %while3A_22 = scf.for %while3A_59 = %while3A_18 to %while3A_14 step %while3A_21 iter_args(%while3A_60 = %while3A_20) -> (vector<1024x136xf32>)  : i32 {
      %get3A_61 = arith.index_cast %while3A_59 : i32 to index
      %get3A_62 = arith.constant 0 : index
      %get3A_63 = vector.load %arg2[%get3A_61, %get3A_62] : memref<4x1024xi32, #tpu.memory_space<vmem>>, vector<1x1024xi32>
      %eq3A_64 = vector.broadcast %get3A_2 : vector<1024x1xi32> to vector<1024x1024xi32>
      %eq3A_65 = vector.broadcast %get3A_63 : vector<1x1024xi32> to vector<1024x1024xi32>
      %eq3A_66 = arith.cmpi eq, %eq3A_64, %eq3A_65 : vector<1024x1024xi32>
      %jit3A_67 = arith.constant 1.000000e+00 : f32
      %jit3A_68 = arith.constant 0.000000e+00 : f32
      %broadcast_in_dim3A_69 = vector.broadcast %jit3A_67 : f32 to vector<1024x1024xf32>
      %broadcast_in_dim3A_70 = vector.broadcast %jit3A_68 : f32 to vector<1024x1024xf32>
      %select_n3A_71 = arith.select %eq3A_66, %broadcast_in_dim3A_69, %broadcast_in_dim3A_70 : vector<1024x1024xi1>, vector<1024x1024xf32>
      %mul3A_72 = arith.constant 1024 : i32
      %mul3A_73 = arith.muli %while3A_59, %mul3A_72 : i32
      %get3A_74 = arith.index_cast %mul3A_73 : i32 to index
      %get3A_75 = arith.constant 0 : index
      %get3A_76 = vector.load %arg6[%get3A_74, %get3A_75] : memref<4096x136xf32, #tpu.memory_space<vmem>>, vector<1024x136xf32>
      %dot_general3A_77 = arith.constant dense<0.000000e+00> : vector<1024x136xf32>
      %dot_general3A_78 = tpu.matmul %select_n3A_71, %get3A_76, %dot_general3A_77 {dimension_numbers = #tpu.dot_dimension_numbers<[1], [0], [0], [1], [0, 0, 1, 1], [], []>, transpose_lhs_hint = false} : vector<1024x1024xf32>, vector<1024x136xf32>, vector<1024x136xf32> -> vector<1024x136xf32>
      %add3A_79 = arith.addf %while3A_60, %dot_general3A_78 : vector<1024x136xf32>
      scf.yield %add3A_79 : vector<1024x136xf32>
    }
    %iota3A_23 = tpu.iota {dimensions = array<i32: 1>} : vector<1024x8xi32>
    %eq3A_24 = arith.constant 0 : i32
    %eq3A_25 = vector.broadcast %eq3A_24 : i32 to vector<1024x8xi32>
    %eq3A_26 = arith.cmpi eq, %iota3A_23, %eq3A_25 : vector<1024x8xi32>
    %jit3A_27 = arith.constant 1.000000e+00 : f32
    %jit3A_28 = arith.constant 0.000000e+00 : f32
    %broadcast_in_dim3A_29 = vector.broadcast %jit3A_27 : f32 to vector<1024x8xf32>
    %broadcast_in_dim3A_30 = vector.broadcast %jit3A_28 : f32 to vector<1024x8xf32>
    %select_n3A_31 = arith.select %eq3A_26, %broadcast_in_dim3A_29, %broadcast_in_dim3A_30 : vector<1024x8xi1>, vector<1024x8xf32>
    %dot_general3A = arith.constant dense<0.000000e+00> : vector<1024x8xf32>
    %dot_general3A_32 = tpu.matmul %select_n3A, %select_n3A_31, %dot_general3A {dimension_numbers = #tpu.dot_dimension_numbers<[1], [0], [0], [1], [0, 0, 1, 1], [], []>, transpose_lhs_hint = false} : vector<1024x1024xf32>, vector<1024x8xf32>, vector<1024x8xf32> -> vector<1024x8xf32>
    %slice3A = vector.extract_strided_slice %while3A_22 {offsets = [0, 128], sizes = [1024, 1], strides = [1, 1]} : vector<1024x136xf32> to vector<1024x1xf32>
    %slice3A_33 = vector.extract_strided_slice %dot_general3A_32 {offsets = [0, 0], sizes = [1024, 1], strides = [1, 1]} : vector<1024x8xf32> to vector<1024x1xf32>
    %add3A = arith.addf %slice3A, %slice3A_33 : vector<1024x1xf32>
    %reduce_max3A = vector.shape_cast %add3A : vector<1024x1xf32> to vector<1x1024x1xf32>
    %reduce_max3A_34 = arith.constant dense<0xFF800000> : vector<1xf32>
    %reduce_max3A_35 = vector.multi_reduction <maximumf>, %reduce_max3A, %reduce_max3A_34 [1, 2] : vector<1x1024x1xf32> to vector<1xf32>
    %reduce_max3A_36 = vector.shape_cast %reduce_max3A_35 : vector<1xf32> to vector<1x1x1xf32>
    %reduce_max3A_37 = vector.extract %reduce_max3A_36[0, 0, 0] : f32 from vector<1x1x1xf32>
    %eq3A_38 = arith.constant 0 : i32
    %eq3A_39 = arith.cmpi eq, %arg0, %eq3A_38 : i32
    %get3A_40 = arith.constant 0 : index
    %get3A_41 = memref.load %arg7[%get3A_40] : memref<1xf32, #tpu.memory_space<smem>>
    %max3A = arith.maximumf %get3A_41, %reduce_max3A_37 : f32
    %select_n3A_42 = arith.select %eq3A_39, %reduce_max3A_37, %max3A : f32
    %swap3A = arith.constant 0 : index
    %swap3A_43 = memref.load %arg7[%swap3A] : memref<1xf32, #tpu.memory_space<smem>>
    memref.store %select_n3A_42, %arg7[%swap3A] : memref<1xf32, #tpu.memory_space<smem>>
    %iota3A_44 = tpu.iota {dimensions = array<i32: 1>} : vector<1024x8xi32>
    %eq3A_45 = arith.constant 0 : i32
    %eq3A_46 = vector.broadcast %eq3A_45 : i32 to vector<1024x8xi32>
    %eq3A_47 = arith.cmpi eq, %iota3A_44, %eq3A_46 : vector<1024x8xi32>
    %jit3A_48 = arith.constant 1.000000e+00 : f32
    %jit3A_49 = arith.constant 0.000000e+00 : f32
    %broadcast_in_dim3A_50 = vector.broadcast %jit3A_48 : f32 to vector<1024x8xf32>
    %broadcast_in_dim3A_51 = vector.broadcast %jit3A_49 : f32 to vector<1024x8xf32>
    %select_n3A_52 = arith.select %eq3A_47, %broadcast_in_dim3A_50, %broadcast_in_dim3A_51 : vector<1024x8xi1>, vector<1024x8xf32>
    %le3A = arith.constant 2.000000e+02 : f32
    %le3A_53 = arith.cmpf ole, %select_n3A_42, %le3A : f32
    %convert_element_type3A = arith.extui %le3A_53 : i1 to i32
    %cond3A = arith.constant 0 : i32
    %cond3A_54 = arith.cmpi ne, %convert_element_type3A, %cond3A : i32
    %cond3A_55 = scf.if %cond3A_54 -> (vector<1024x128xf32>) {
      %get3A_59 = arith.index_cast %mul3A_0 : i32 to index
      %get3A_60 = arith.constant 0 : index
      %get3A_61 = vector.load %arg3[%get3A_59, %get3A_60] : memref<4096x128xf32, #tpu.memory_space<vmem>>, vector<1024x128xf32>
      %mul3A_62 = arith.constant 0.105360515 : f32
      %mul3A_63 = vector.broadcast %mul3A_62 : f32 to vector<1024x1xf32>
      %mul3A_64 = arith.mulf %mul3A_63, %add3A : vector<1024x1xf32>
      %exp3A = math.exp %mul3A_64 : vector<1024x1xf32>
      %mul3A_65 = arith.constant 1.000000e-01 : f32
      %mul3A_66 = vector.broadcast %mul3A_65 : f32 to vector<1024x1xf32>
      %mul3A_67 = arith.mulf %mul3A_66, %exp3A : vector<1024x1xf32>
      %mul3A_68 = vector.broadcast %mul3A_67 : vector<1024x1xf32> to vector<1024x128xf32>
      %mul3A_69 = arith.mulf %mul3A_68, %get3A_61 : vector<1024x128xf32>
      %swap3A_70 = arith.index_cast %mul3A_0 : i32 to index
      %swap3A_71 = arith.constant 0 : index
      %swap3A_72 = vector.load %arg6[%swap3A_70, %swap3A_71] : memref<4096x136xf32, #tpu.memory_space<vmem>>, vector<1024x128xf32>
      tpu.vector_store %arg6[%swap3A_70, %swap3A_71], %mul3A_69 {strides = array<i32>} : memref<4096x136xf32, #tpu.memory_space<vmem>>, vector<1024x128xf32>,
      %swap3A_73 = arith.index_cast %mul3A_0 : i32 to index
      %swap3A_74 = arith.constant 128 : index
      %swap3A_75 = vector.load %arg6[%swap3A_73, %swap3A_74] : memref<4096x136xf32, #tpu.memory_space<vmem>>, vector<1024x8xf32>
      tpu.vector_store %arg6[%swap3A_73, %swap3A_74], %select_n3A_52 {strides = array<i32>} : memref<4096x136xf32, #tpu.memory_space<vmem>>, vector<1024x8xf32>,
      %dot_general3A_76 = arith.constant dense<0.000000e+00> : vector<1024x128xf32>
      %dot_general3A_77 = tpu.matmul %select_n3A, %mul3A_69, %dot_general3A_76 {dimension_numbers = #tpu.dot_dimension_numbers<[1], [0], [0], [1], [0, 0, 1, 1], [], []>, transpose_lhs_hint = false} : vector<1024x1024xf32>, vector<1024x128xf32>, vector<1024x128xf32> -> vector<1024x128xf32>
      %mul3A_78 = arith.constant -0.105360515 : f32
      %mul3A_79 = vector.broadcast %mul3A_78 : f32 to vector<1024x1xf32>
      %mul3A_80 = arith.mulf %mul3A_79, %add3A : vector<1024x1xf32>
      %exp3A_81 = math.exp %mul3A_80 : vector<1024x1xf32>
      %slice3A_82 = vector.extract_strided_slice %while3A_22 {offsets = [0, 0], sizes = [1024, 128], strides = [1, 1]} : vector<1024x136xf32> to vector<1024x128xf32>
      %add3A_83 = arith.addf %slice3A_82, %dot_general3A_77 : vector<1024x128xf32>
      %mul3A_84 = vector.broadcast %exp3A_81 : vector<1024x1xf32> to vector<1024x128xf32>
      %mul3A_85 = arith.mulf %mul3A_84, %add3A_83 : vector<1024x128xf32>
      %mul3A_86 = arith.constant 1.000000e-01 : f32
      %mul3A_87 = vector.broadcast %mul3A_86 : f32 to vector<1024x128xf32>
      %mul3A_88 = arith.mulf %mul3A_87, %get3A_61 : vector<1024x128xf32>
      %add3A_89 = arith.addf %mul3A_85, %mul3A_88 : vector<1024x128xf32>
      %add3A_90 = arith.constant 1.000000e+00 : f32
      %add3A_91 = vector.broadcast %add3A_90 : f32 to vector<1024x1xf32>
      %add3A_92 = arith.addf %add3A, %add3A_91 : vector<1024x1xf32>
      %mul3A_93 = arith.constant -0.105360515 : f32
      %mul3A_94 = vector.broadcast %mul3A_93 : f32 to vector<1024x1xf32>
      %mul3A_95 = arith.mulf %mul3A_94, %add3A_92 : vector<1024x1xf32>
      %exp3A_96 = math.exp %mul3A_95 : vector<1024x1xf32>
      %get3A_97 = arith.constant 0 : index
      %get3A_98 = arith.constant 0 : index
      %get3A_99 = vector.load %arg4[%get3A_97, %get3A_98] : memref<1024x128xf32, #tpu.memory_space<vmem>>, vector<1024x128xf32>
      %mul3A_100 = vector.broadcast %exp3A_96 : vector<1024x1xf32> to vector<1024x128xf32>
      %mul3A_101 = arith.mulf %mul3A_100, %get3A_99 : vector<1024x128xf32>
      %add3A_102 = arith.addf %add3A_89, %mul3A_101 : vector<1024x128xf32>
      scf.yield %add3A_102 : vector<1024x128xf32>
    } else {
      %broadcast_in_dim3A_59 = arith.constant 0.000000e+00 : f32
      %broadcast_in_dim3A_60 = vector.broadcast %broadcast_in_dim3A_59 : f32 to vector<1024x128xf32>
      %swap3A_61 = arith.index_cast %mul3A_0 : i32 to index
      %swap3A_62 = arith.constant 0 : index
      %swap3A_63 = vector.load %arg6[%swap3A_61, %swap3A_62] : memref<4096x136xf32, #tpu.memory_space<vmem>>, vector<1024x128xf32>
      tpu.vector_store %arg6[%swap3A_61, %swap3A_62], %broadcast_in_dim3A_60 {strides = array<i32>} : memref<4096x136xf32, #tpu.memory_space<vmem>>, vector<1024x128xf32>,
      %swap3A_64 = arith.index_cast %mul3A_0 : i32 to index
      %swap3A_65 = arith.constant 128 : index
      %swap3A_66 = vector.load %arg6[%swap3A_64, %swap3A_65] : memref<4096x136xf32, #tpu.memory_space<vmem>>, vector<1024x8xf32>
      tpu.vector_store %arg6[%swap3A_64, %swap3A_65], %select_n3A_52 {strides = array<i32>} : memref<4096x136xf32, #tpu.memory_space<vmem>>, vector<1024x8xf32>,
      %broadcast_in_dim3A_67 = arith.constant 0.000000e+00 : f32
      %broadcast_in_dim3A_68 = vector.broadcast %broadcast_in_dim3A_67 : f32 to vector<1024x128xf32>
      %while3A_69 = arith.constant 0 : i32
      %while3A_70 = arith.subi %arg0, %while3A_69 : i32
      %while3A_71 = arith.addi %while3A_69, %while3A_70 : i32
      %while3A_72 = arith.constant 1 : i32
      %while3A_73 = arith.divsi %while3A_70, %while3A_72 : i32
      %while3A_74 = arith.muli %while3A_73, %while3A_72 : i32
      %while3A_75 = arith.addi %while3A_69, %while3A_74 : i32
      %while3A_76 = arith.constant 1 : i32
      %while3A_77 = scf.for %while3A_130 = %while3A_69 to %while3A_75 step %while3A_76 iter_args(%while3A_131 = %broadcast_in_dim3A_68) -> (vector<1024x128xf32>)  : i32 {
        %get3A_132 = arith.index_cast %while3A_130 : i32 to index
        %get3A_133 = arith.constant 0 : index
        %get3A_134 = vector.load %arg2[%get3A_132, %get3A_133] : memref<4x1024xi32, #tpu.memory_space<vmem>>, vector<1x1024xi32>
        %eq3A_135 = vector.broadcast %get3A_2 : vector<1024x1xi32> to vector<1024x1024xi32>
        %eq3A_136 = vector.broadcast %get3A_134 : vector<1x1024xi32> to vector<1024x1024xi32>
        %eq3A_137 = arith.cmpi eq, %eq3A_135, %eq3A_136 : vector<1024x1024xi32>
        %get3A_138 = arith.index_cast %while3A_130 : i32 to index
        %get3A_139 = arith.constant 0 : index
        %get3A_140 = vector.load %arg2[%get3A_138, %get3A_139] : memref<4x1024xi32, #tpu.memory_space<vmem>>, vector<1x1024xi32>
        %add3A_141 = arith.constant 1 : i32
        %add3A_142 = arith.addi %while3A_130, %add3A_141 : i32
        %broadcast_in_dim3A_143 = arith.constant 0.000000e+00 : f32
        %broadcast_in_dim3A_144 = vector.broadcast %broadcast_in_dim3A_143 : f32 to vector<1x1024xf32>
        %while3A_145 = arith.constant 0 : i32
        %while3A_146 = arith.subi %add3A_142, %while3A_145 : i32
        %while3A_147 = arith.addi %while3A_145, %while3A_146 : i32
        %while3A_148 = arith.constant 1 : i32
        %while3A_149 = arith.divsi %while3A_146, %while3A_148 : i32
        %while3A_150 = arith.muli %while3A_149, %while3A_148 : i32
        %while3A_151 = arith.addi %while3A_145, %while3A_150 : i32
        %while3A_152 = arith.constant 1 : i32
        %while3A_153 = scf.for %while3A_177 = %while3A_145 to %while3A_151 step %while3A_152 iter_args(%while3A_178 = %broadcast_in_dim3A_144) -> (vector<1x1024xf32>)  : i32 {
          %mul3A_179 = arith.constant 1024 : i32
          %mul3A_180 = arith.muli %while3A_177, %mul3A_179 : i32
          %get3A_181 = arith.index_cast %mul3A_180 : i32 to index
          %get3A_182 = arith.constant 0 : index
          %get3A_183 = vector.load %arg1[%get3A_181, %get3A_182] : memref<4096x1xi32, #tpu.memory_space<vmem>>, vector<1024x1xi32>
          %eq3A_184 = vector.broadcast %get3A_183 : vector<1024x1xi32> to vector<1024x1024xi32>
          %eq3A_185 = vector.broadcast %get3A_140 : vector<1x1024xi32> to vector<1024x1024xi32>
          %eq3A_186 = arith.cmpi eq, %eq3A_184, %eq3A_185 : vector<1024x1024xi32>
          %lt3A_187 = arith.cmpi slt, %while3A_177, %while3A_130 : i32
          %lt3A_188 = arith.cmpi slt, %iota3A, %iota3A_6 : vector<1024x1024xi32>
          %or3A = vector.broadcast %lt3A_187 : i1 to vector<1024x1024xi1>
          %or3A_189 = arith.ori %or3A, %lt3A_188 : vector<1024x1024xi1>
          %and3A_190 = arith.andi %eq3A_186, %or3A_189 : vector<1024x1024xi1>
          %convert_element_type3A_191 = arith.extui %and3A_190 : vector<1024x1024xi1> to vector<1024x1024xi32>
          %convert_element_type3A_192 = arith.sitofp %convert_element_type3A_191 : vector<1024x1024xi32> to vector<1024x1024xf32>
          %reduce_sum3A = arith.constant dense<0.000000e+00> : vector<1024xf32>
          %reduce_sum3A_193 = vector.multi_reduction <add>, %convert_element_type3A_192, %reduce_sum3A [0] : vector<1024x1024xf32> to vector<1024xf32>
          %broadcast_in_dim3A_194 = vector.shape_cast %reduce_sum3A_193 : vector<1024xf32> to vector<1x1024xf32>
          %add3A_195 = arith.addf %while3A_178, %broadcast_in_dim3A_194 : vector<1x1024xf32>
          scf.yield %add3A_195 : vector<1x1024xf32>
        }
        %while3A_154 = arith.constant 1 : i32
        %while3A_155 = scf.for %while3A_177 = %while3A_151 to %while3A_147 step %while3A_154 iter_args(%while3A_178 = %while3A_153) -> (vector<1x1024xf32>)  : i32 {
          %mul3A_179 = arith.constant 1024 : i32
          %mul3A_180 = arith.muli %while3A_177, %mul3A_179 : i32
          %get3A_181 = arith.index_cast %mul3A_180 : i32 to index
          %get3A_182 = arith.constant 0 : index
          %get3A_183 = vector.load %arg1[%get3A_181, %get3A_182] : memref<4096x1xi32, #tpu.memory_space<vmem>>, vector<1024x1xi32>
          %eq3A_184 = vector.broadcast %get3A_183 : vector<1024x1xi32> to vector<1024x1024xi32>
          %eq3A_185 = vector.broadcast %get3A_140 : vector<1x1024xi32> to vector<1024x1024xi32>
          %eq3A_186 = arith.cmpi eq, %eq3A_184, %eq3A_185 : vector<1024x1024xi32>
          %lt3A_187 = arith.cmpi slt, %while3A_177, %while3A_130 : i32
          %lt3A_188 = arith.cmpi slt, %iota3A, %iota3A_6 : vector<1024x1024xi32>
          %or3A = vector.broadcast %lt3A_187 : i1 to vector<1024x1024xi1>
          %or3A_189 = arith.ori %or3A, %lt3A_188 : vector<1024x1024xi1>
          %and3A_190 = arith.andi %eq3A_186, %or3A_189 : vector<1024x1024xi1>
          %convert_element_type3A_191 = arith.extui %and3A_190 : vector<1024x1024xi1> to vector<1024x1024xi32>
          %convert_element_type3A_192 = arith.sitofp %convert_element_type3A_191 : vector<1024x1024xi32> to vector<1024x1024xf32>
          %reduce_sum3A = arith.constant dense<0.000000e+00> : vector<1024xf32>
          %reduce_sum3A_193 = vector.multi_reduction <add>, %convert_element_type3A_192, %reduce_sum3A [0] : vector<1024x1024xf32> to vector<1024xf32>
          %broadcast_in_dim3A_194 = vector.shape_cast %reduce_sum3A_193 : vector<1024xf32> to vector<1x1024xf32>
          %add3A_195 = arith.addf %while3A_178, %broadcast_in_dim3A_194 : vector<1x1024xf32>
          scf.yield %add3A_195 : vector<1x1024xf32>
        }
        %sub3A_156 = vector.broadcast %add3A : vector<1024x1xf32> to vector<1024x1024xf32>
        %sub3A_157 = vector.broadcast %while3A_155 : vector<1x1024xf32> to vector<1024x1024xf32>
        %sub3A_158 = arith.subf %sub3A_156, %sub3A_157 : vector<1024x1024xf32>
        %mul3A_159 = arith.constant -0.105360515 : f32
        %mul3A_160 = vector.broadcast %mul3A_159 : f32 to vector<1024x1024xf32>
        %mul3A_161 = arith.mulf %sub3A_158, %mul3A_160 : vector<1024x1024xf32>
        %exp3A_162 = math.exp %mul3A_161 : vector<1024x1024xf32>
        %mul3A_163 = arith.constant 1.000000e-01 : f32
        %mul3A_164 = vector.broadcast %mul3A_163 : f32 to vector<1024x1024xf32>
        %mul3A_165 = arith.mulf %mul3A_164, %exp3A_162 : vector<1024x1024xf32>
        %jit3A_166 = arith.constant 0.000000e+00 : f32
        %broadcast_in_dim3A_167 = vector.broadcast %jit3A_166 : f32 to vector<1024x1024xf32>
        %select_n3A_168 = arith.select %eq3A_137, %mul3A_165, %broadcast_in_dim3A_167 : vector<1024x1024xi1>, vector<1024x1024xf32>
        %mul3A_169 = arith.constant 1024 : i32
        %mul3A_170 = arith.muli %while3A_130, %mul3A_169 : i32
        %get3A_171 = arith.index_cast %mul3A_170 : i32 to index
        %get3A_172 = arith.constant 0 : index
        %get3A_173 = vector.load %arg3[%get3A_171, %get3A_172] : memref<4096x128xf32, #tpu.memory_space<vmem>>, vector<1024x128xf32>
        %dot_general3A_174 = arith.constant dense<0.000000e+00> : vector<1024x128xf32>
        %dot_general3A_175 = tpu.matmul %select_n3A_168, %get3A_173, %dot_general3A_174 {dimension_numbers = #tpu.dot_dimension_numbers<[1], [0], [0], [1], [0, 0, 1, 1], [], []>, transpose_lhs_hint = false} : vector<1024x1024xf32>, vector<1024x128xf32>, vector<1024x128xf32> -> vector<1024x128xf32>
        %add3A_176 = arith.addf %while3A_131, %dot_general3A_175 : vector<1024x128xf32>
        scf.yield %add3A_176 : vector<1024x128xf32>
      }
      %while3A_78 = arith.constant 1 : i32
      %while3A_79 = scf.for %while3A_130 = %while3A_75 to %while3A_71 step %while3A_78 iter_args(%while3A_131 = %while3A_77) -> (vector<1024x128xf32>)  : i32 {
        %get3A_132 = arith.index_cast %while3A_130 : i32 to index
        %get3A_133 = arith.constant 0 : index
        %get3A_134 = vector.load %arg2[%get3A_132, %get3A_133] : memref<4x1024xi32, #tpu.memory_space<vmem>>, vector<1x1024xi32>
        %eq3A_135 = vector.broadcast %get3A_2 : vector<1024x1xi32> to vector<1024x1024xi32>
        %eq3A_136 = vector.broadcast %get3A_134 : vector<1x1024xi32> to vector<1024x1024xi32>
        %eq3A_137 = arith.cmpi eq, %eq3A_135, %eq3A_136 : vector<1024x1024xi32>
        %get3A_138 = arith.index_cast %while3A_130 : i32 to index
        %get3A_139 = arith.constant 0 : index
        %get3A_140 = vector.load %arg2[%get3A_138, %get3A_139] : memref<4x1024xi32, #tpu.memory_space<vmem>>, vector<1x1024xi32>
        %add3A_141 = arith.constant 1 : i32
        %add3A_142 = arith.addi %while3A_130, %add3A_141 : i32
        %broadcast_in_dim3A_143 = arith.constant 0.000000e+00 : f32
        %broadcast_in_dim3A_144 = vector.broadcast %broadcast_in_dim3A_143 : f32 to vector<1x1024xf32>
        %while3A_145 = arith.constant 0 : i32
        %while3A_146 = arith.subi %add3A_142, %while3A_145 : i32
        %while3A_147 = arith.addi %while3A_145, %while3A_146 : i32
        %while3A_148 = arith.constant 1 : i32
        %while3A_149 = arith.divsi %while3A_146, %while3A_148 : i32
        %while3A_150 = arith.muli %while3A_149, %while3A_148 : i32
        %while3A_151 = arith.addi %while3A_145, %while3A_150 : i32
        %while3A_152 = arith.constant 1 : i32
        %while3A_153 = scf.for %while3A_177 = %while3A_145 to %while3A_151 step %while3A_152 iter_args(%while3A_178 = %broadcast_in_dim3A_144) -> (vector<1x1024xf32>)  : i32 {
          %mul3A_179 = arith.constant 1024 : i32
          %mul3A_180 = arith.muli %while3A_177, %mul3A_179 : i32
          %get3A_181 = arith.index_cast %mul3A_180 : i32 to index
          %get3A_182 = arith.constant 0 : index
          %get3A_183 = vector.load %arg1[%get3A_181, %get3A_182] : memref<4096x1xi32, #tpu.memory_space<vmem>>, vector<1024x1xi32>
          %eq3A_184 = vector.broadcast %get3A_183 : vector<1024x1xi32> to vector<1024x1024xi32>
          %eq3A_185 = vector.broadcast %get3A_140 : vector<1x1024xi32> to vector<1024x1024xi32>
          %eq3A_186 = arith.cmpi eq, %eq3A_184, %eq3A_185 : vector<1024x1024xi32>
          %lt3A_187 = arith.cmpi slt, %while3A_177, %while3A_130 : i32
          %lt3A_188 = arith.cmpi slt, %iota3A, %iota3A_6 : vector<1024x1024xi32>
          %or3A = vector.broadcast %lt3A_187 : i1 to vector<1024x1024xi1>
          %or3A_189 = arith.ori %or3A, %lt3A_188 : vector<1024x1024xi1>
          %and3A_190 = arith.andi %eq3A_186, %or3A_189 : vector<1024x1024xi1>
          %convert_element_type3A_191 = arith.extui %and3A_190 : vector<1024x1024xi1> to vector<1024x1024xi32>
          %convert_element_type3A_192 = arith.sitofp %convert_element_type3A_191 : vector<1024x1024xi32> to vector<1024x1024xf32>
          %reduce_sum3A = arith.constant dense<0.000000e+00> : vector<1024xf32>
          %reduce_sum3A_193 = vector.multi_reduction <add>, %convert_element_type3A_192, %reduce_sum3A [0] : vector<1024x1024xf32> to vector<1024xf32>
          %broadcast_in_dim3A_194 = vector.shape_cast %reduce_sum3A_193 : vector<1024xf32> to vector<1x1024xf32>
          %add3A_195 = arith.addf %while3A_178, %broadcast_in_dim3A_194 : vector<1x1024xf32>
          scf.yield %add3A_195 : vector<1x1024xf32>
        }
        %while3A_154 = arith.constant 1 : i32
        %while3A_155 = scf.for %while3A_177 = %while3A_151 to %while3A_147 step %while3A_154 iter_args(%while3A_178 = %while3A_153) -> (vector<1x1024xf32>)  : i32 {
          %mul3A_179 = arith.constant 1024 : i32
          %mul3A_180 = arith.muli %while3A_177, %mul3A_179 : i32
          %get3A_181 = arith.index_cast %mul3A_180 : i32 to index
          %get3A_182 = arith.constant 0 : index
          %get3A_183 = vector.load %arg1[%get3A_181, %get3A_182] : memref<4096x1xi32, #tpu.memory_space<vmem>>, vector<1024x1xi32>
          %eq3A_184 = vector.broadcast %get3A_183 : vector<1024x1xi32> to vector<1024x1024xi32>
          %eq3A_185 = vector.broadcast %get3A_140 : vector<1x1024xi32> to vector<1024x1024xi32>
          %eq3A_186 = arith.cmpi eq, %eq3A_184, %eq3A_185 : vector<1024x1024xi32>
          %lt3A_187 = arith.cmpi slt, %while3A_177, %while3A_130 : i32
          %lt3A_188 = arith.cmpi slt, %iota3A, %iota3A_6 : vector<1024x1024xi32>
          %or3A = vector.broadcast %lt3A_187 : i1 to vector<1024x1024xi1>
          %or3A_189 = arith.ori %or3A, %lt3A_188 : vector<1024x1024xi1>
          %and3A_190 = arith.andi %eq3A_186, %or3A_189 : vector<1024x1024xi1>
          %convert_element_type3A_191 = arith.extui %and3A_190 : vector<1024x1024xi1> to vector<1024x1024xi32>
          %convert_element_type3A_192 = arith.sitofp %convert_element_type3A_191 : vector<1024x1024xi32> to vector<1024x1024xf32>
          %reduce_sum3A = arith.constant dense<0.000000e+00> : vector<1024xf32>
          %reduce_sum3A_193 = vector.multi_reduction <add>, %convert_element_type3A_192, %reduce_sum3A [0] : vector<1024x1024xf32> to vector<1024xf32>
          %broadcast_in_dim3A_194 = vector.shape_cast %reduce_sum3A_193 : vector<1024xf32> to vector<1x1024xf32>
          %add3A_195 = arith.addf %while3A_178, %broadcast_in_dim3A_194 : vector<1x1024xf32>
          scf.yield %add3A_195 : vector<1x1024xf32>
        }
        %sub3A_156 = vector.broadcast %add3A : vector<1024x1xf32> to vector<1024x1024xf32>
        %sub3A_157 = vector.broadcast %while3A_155 : vector<1x1024xf32> to vector<1024x1024xf32>
        %sub3A_158 = arith.subf %sub3A_156, %sub3A_157 : vector<1024x1024xf32>
        %mul3A_159 = arith.constant -0.105360515 : f32
        %mul3A_160 = vector.broadcast %mul3A_159 : f32 to vector<1024x1024xf32>
        %mul3A_161 = arith.mulf %sub3A_158, %mul3A_160 : vector<1024x1024xf32>
        %exp3A_162 = math.exp %mul3A_161 : vector<1024x1024xf32>
        %mul3A_163 = arith.constant 1.000000e-01 : f32
        %mul3A_164 = vector.broadcast %mul3A_163 : f32 to vector<1024x1024xf32>
        %mul3A_165 = arith.mulf %mul3A_164, %exp3A_162 : vector<1024x1024xf32>
        %jit3A_166 = arith.constant 0.000000e+00 : f32
        %broadcast_in_dim3A_167 = vector.broadcast %jit3A_166 : f32 to vector<1024x1024xf32>
        %select_n3A_168 = arith.select %eq3A_137, %mul3A_165, %broadcast_in_dim3A_167 : vector<1024x1024xi1>, vector<1024x1024xf32>
        %mul3A_169 = arith.constant 1024 : i32
        %mul3A_170 = arith.muli %while3A_130, %mul3A_169 : i32
        %get3A_171 = arith.index_cast %mul3A_170 : i32 to index
        %get3A_172 = arith.constant 0 : index
        %get3A_173 = vector.load %arg3[%get3A_171, %get3A_172] : memref<4096x128xf32, #tpu.memory_space<vmem>>, vector<1024x128xf32>
        %dot_general3A_174 = arith.constant dense<0.000000e+00> : vector<1024x128xf32>
        %dot_general3A_175 = tpu.matmul %select_n3A_168, %get3A_173, %dot_general3A_174 {dimension_numbers = #tpu.dot_dimension_numbers<[1], [0], [0], [1], [0, 0, 1, 1], [], []>, transpose_lhs_hint = false} : vector<1024x1024xf32>, vector<1024x128xf32>, vector<1024x128xf32> -> vector<1024x128xf32>
        %add3A_176 = arith.addf %while3A_131, %dot_general3A_175 : vector<1024x128xf32>
        scf.yield %add3A_176 : vector<1024x128xf32>
      }
      %get3A_80 = arith.index_cast %arg0 : i32 to index
      %get3A_81 = arith.constant 0 : index
      %get3A_82 = vector.load %arg2[%get3A_80, %get3A_81] : memref<4x1024xi32, #tpu.memory_space<vmem>>, vector<1x1024xi32>
      %add3A_83 = arith.constant 1 : i32
      %add3A_84 = arith.addi %arg0, %add3A_83 : i32
      %broadcast_in_dim3A_85 = arith.constant 0.000000e+00 : f32
      %broadcast_in_dim3A_86 = vector.broadcast %broadcast_in_dim3A_85 : f32 to vector<1x1024xf32>
      %while3A_87 = arith.constant 0 : i32
      %while3A_88 = arith.subi %add3A_84, %while3A_87 : i32
      %while3A_89 = arith.addi %while3A_87, %while3A_88 : i32
      %while3A_90 = arith.constant 1 : i32
      %while3A_91 = arith.divsi %while3A_88, %while3A_90 : i32
      %while3A_92 = arith.muli %while3A_91, %while3A_90 : i32
      %while3A_93 = arith.addi %while3A_87, %while3A_92 : i32
      %while3A_94 = arith.constant 1 : i32
      %while3A_95 = scf.for %while3A_130 = %while3A_87 to %while3A_93 step %while3A_94 iter_args(%while3A_131 = %broadcast_in_dim3A_86) -> (vector<1x1024xf32>)  : i32 {
        %mul3A_132 = arith.constant 1024 : i32
        %mul3A_133 = arith.muli %while3A_130, %mul3A_132 : i32
        %get3A_134 = arith.index_cast %mul3A_133 : i32 to index
        %get3A_135 = arith.constant 0 : index
        %get3A_136 = vector.load %arg1[%get3A_134, %get3A_135] : memref<4096x1xi32, #tpu.memory_space<vmem>>, vector<1024x1xi32>
        %eq3A_137 = vector.broadcast %get3A_136 : vector<1024x1xi32> to vector<1024x1024xi32>
        %eq3A_138 = vector.broadcast %get3A_82 : vector<1x1024xi32> to vector<1024x1024xi32>
        %eq3A_139 = arith.cmpi eq, %eq3A_137, %eq3A_138 : vector<1024x1024xi32>
        %lt3A_140 = arith.cmpi slt, %while3A_130, %arg0 : i32
        %lt3A_141 = arith.cmpi slt, %iota3A, %iota3A_6 : vector<1024x1024xi32>
        %or3A = vector.broadcast %lt3A_140 : i1 to vector<1024x1024xi1>
        %or3A_142 = arith.ori %or3A, %lt3A_141 : vector<1024x1024xi1>
        %and3A_143 = arith.andi %eq3A_139, %or3A_142 : vector<1024x1024xi1>
        %convert_element_type3A_144 = arith.extui %and3A_143 : vector<1024x1024xi1> to vector<1024x1024xi32>
        %convert_element_type3A_145 = arith.sitofp %convert_element_type3A_144 : vector<1024x1024xi32> to vector<1024x1024xf32>
        %reduce_sum3A = arith.constant dense<0.000000e+00> : vector<1024xf32>
        %reduce_sum3A_146 = vector.multi_reduction <add>, %convert_element_type3A_145, %reduce_sum3A [0] : vector<1024x1024xf32> to vector<1024xf32>
        %broadcast_in_dim3A_147 = vector.shape_cast %reduce_sum3A_146 : vector<1024xf32> to vector<1x1024xf32>
        %add3A_148 = arith.addf %while3A_131, %broadcast_in_dim3A_147 : vector<1x1024xf32>
        scf.yield %add3A_148 : vector<1x1024xf32>
      }
      %while3A_96 = arith.constant 1 : i32
      %while3A_97 = scf.for %while3A_130 = %while3A_93 to %while3A_89 step %while3A_96 iter_args(%while3A_131 = %while3A_95) -> (vector<1x1024xf32>)  : i32 {
        %mul3A_132 = arith.constant 1024 : i32
        %mul3A_133 = arith.muli %while3A_130, %mul3A_132 : i32
        %get3A_134 = arith.index_cast %mul3A_133 : i32 to index
        %get3A_135 = arith.constant 0 : index
        %get3A_136 = vector.load %arg1[%get3A_134, %get3A_135] : memref<4096x1xi32, #tpu.memory_space<vmem>>, vector<1024x1xi32>
        %eq3A_137 = vector.broadcast %get3A_136 : vector<1024x1xi32> to vector<1024x1024xi32>
        %eq3A_138 = vector.broadcast %get3A_82 : vector<1x1024xi32> to vector<1024x1024xi32>
        %eq3A_139 = arith.cmpi eq, %eq3A_137, %eq3A_138 : vector<1024x1024xi32>
        %lt3A_140 = arith.cmpi slt, %while3A_130, %arg0 : i32
        %lt3A_141 = arith.cmpi slt, %iota3A, %iota3A_6 : vector<1024x1024xi32>
        %or3A = vector.broadcast %lt3A_140 : i1 to vector<1024x1024xi1>
        %or3A_142 = arith.ori %or3A, %lt3A_141 : vector<1024x1024xi1>
        %and3A_143 = arith.andi %eq3A_139, %or3A_142 : vector<1024x1024xi1>
        %convert_element_type3A_144 = arith.extui %and3A_143 : vector<1024x1024xi1> to vector<1024x1024xi32>
        %convert_element_type3A_145 = arith.sitofp %convert_element_type3A_144 : vector<1024x1024xi32> to vector<1024x1024xf32>
        %reduce_sum3A = arith.constant dense<0.000000e+00> : vector<1024xf32>
        %reduce_sum3A_146 = vector.multi_reduction <add>, %convert_element_type3A_145, %reduce_sum3A [0] : vector<1024x1024xf32> to vector<1024xf32>
        %broadcast_in_dim3A_147 = vector.shape_cast %reduce_sum3A_146 : vector<1024xf32> to vector<1x1024xf32>
        %add3A_148 = arith.addf %while3A_131, %broadcast_in_dim3A_147 : vector<1x1024xf32>
        scf.yield %add3A_148 : vector<1x1024xf32>
      }
      %sub3A = vector.broadcast %add3A : vector<1024x1xf32> to vector<1024x1024xf32>
      %sub3A_98 = vector.broadcast %while3A_97 : vector<1x1024xf32> to vector<1024x1024xf32>
      %sub3A_99 = arith.subf %sub3A, %sub3A_98 : vector<1024x1024xf32>
      %le3A_100 = arith.cmpi sle, %iota3A_6, %iota3A : vector<1024x1024xi32>
      %and3A_101 = arith.andi %eq3A_8, %le3A_100 : vector<1024x1024xi1>
      %mul3A_102 = arith.constant -0.105360515 : f32
      %mul3A_103 = vector.broadcast %mul3A_102 : f32 to vector<1024x1024xf32>
      %mul3A_104 = arith.mulf %sub3A_99, %mul3A_103 : vector<1024x1024xf32>
      %exp3A = math.exp %mul3A_104 : vector<1024x1024xf32>
      %mul3A_105 = arith.constant 1.000000e-01 : f32
      %mul3A_106 = vector.broadcast %mul3A_105 : f32 to vector<1024x1024xf32>
      %mul3A_107 = arith.mulf %mul3A_106, %exp3A : vector<1024x1024xf32>
      %jit3A_108 = arith.constant 0.000000e+00 : f32
      %broadcast_in_dim3A_109 = vector.broadcast %jit3A_108 : f32 to vector<1024x1024xf32>
      %select_n3A_110 = arith.select %and3A_101, %mul3A_107, %broadcast_in_dim3A_109 : vector<1024x1024xi1>, vector<1024x1024xf32>
      %get3A_111 = arith.index_cast %mul3A_0 : i32 to index
      %get3A_112 = arith.constant 0 : index
      %get3A_113 = vector.load %arg3[%get3A_111, %get3A_112] : memref<4096x128xf32, #tpu.memory_space<vmem>>, vector<1024x128xf32>
      %dot_general3A_114 = arith.constant dense<0.000000e+00> : vector<1024x128xf32>
      %dot_general3A_115 = tpu.matmul %select_n3A_110, %get3A_113, %dot_general3A_114 {dimension_numbers = #tpu.dot_dimension_numbers<[1], [0], [0], [1], [0, 0, 1, 1], [], []>, precision = #tpu.contract_precision<fp32>, transpose_lhs_hint = false} : vector<1024x1024xf32>, vector<1024x128xf32>, vector<1024x128xf32> -> vector<1024x128xf32>
      %add3A_116 = arith.addf %while3A_79, %dot_general3A_115 : vector<1024x128xf32>
      %add3A_117 = arith.constant 1.000000e+00 : f32
      %add3A_118 = vector.broadcast %add3A_117 : f32 to vector<1024x1xf32>
      %add3A_119 = arith.addf %add3A, %add3A_118 : vector<1024x1xf32>
      %mul3A_120 = arith.constant -0.105360515 : f32
      %mul3A_121 = vector.broadcast %mul3A_120 : f32 to vector<1024x1xf32>
      %mul3A_122 = arith.mulf %add3A_119, %mul3A_121 : vector<1024x1xf32>
      %exp3A_123 = math.exp %mul3A_122 : vector<1024x1xf32>
      %get3A_124 = arith.constant 0 : index
      %get3A_125 = arith.constant 0 : index
      %get3A_126 = vector.load %arg4[%get3A_124, %get3A_125] : memref<1024x128xf32, #tpu.memory_space<vmem>>, vector<1024x128xf32>
      %mul3A_127 = vector.broadcast %exp3A_123 : vector<1024x1xf32> to vector<1024x128xf32>
      %mul3A_128 = arith.mulf %mul3A_127, %get3A_126 : vector<1024x128xf32>
      %add3A_129 = arith.addf %mul3A_128, %add3A_116 : vector<1024x128xf32>
      scf.yield %add3A_129 : vector<1024x128xf32>
    }
    %swap3A_56 = arith.constant 0 : index
    %swap3A_57 = arith.constant 0 : index
    %swap3A_58 = vector.load %arg5[%swap3A_56, %swap3A_57] : memref<1024x128xf32, #tpu.memory_space<vmem>>, vector<1024x128xf32>
    tpu.vector_store %arg5[%swap3A_56, %swap3A_57], %cond3A_55 {strides = array<i32>} : memref<1024x128xf32, #tpu.memory_space<vmem>>, vector<1024x128xf32>,
    return
  }
  func.func @transform_0(%arg0: i32) -> (i32, i32) {
    %c0_i32 = arith.constant 0 : i32
    %c0_i32_0 = arith.constant 0 : i32
    %c0_i32_1 = arith.constant 0 : i32
    return %c0_i32, %c0_i32_0 : i32, i32
  }
  func.func @transform_1(%arg0: i32) -> (i32, i32) {
    %c0_i32 = arith.constant 0 : i32
    %c0_i32_0 = arith.constant 0 : i32
    %c0_i32_1 = arith.constant 0 : i32
    return %c0_i32, %c0_i32_0 : i32, i32
  }
  func.func @transform_2(%arg0: i32) -> (i32, i32) {
    %c0_i32 = arith.constant 0 : i32
    %c0_i32_0 = arith.constant 0 : i32
    %c0_i32_1 = arith.constant 0 : i32
    return %c0_i32, %c0_i32_0 : i32, i32
  }
  func.func @transform_3(%arg0: i32) -> (i32, i32) {
    %c0_i32 = arith.constant 0 : i32
    %c0_i32_0 = arith.constant 0 : i32
    return %arg0, %c0_i32 : i32, i32
  }
  func.func @transform_4(%arg0: i32) -> (i32, i32) {
    %c0_i32 = arith.constant 0 : i32
    %c0_i32_0 = arith.constant 0 : i32
    return %arg0, %c0_i32 : i32, i32
  }
}

</mosaic_0001>

<sc_bundles>
// kernel: kernel.4.cloned.1.call-start
scs
__scs_entry_jumppad:
0x0: {  	(pc) =	sbr.rel $0x88, $3  }
0x1: {  	(tag) =	ssettag $0x0;
	lr =	simm.s32 $0x1  }
0x2: {  	[smem:$0x3F9E] =	sst lr;
	_ =	strace $0xD0000000  }
0x3: {  	_ = 	snop  }
0x4: {  	_ = 	snop  }
0x5: {  	_ = 	snop  }
0x6: {  	_ = 	snop  }
0x7: {  	_ = 	snop  }
__scs_overlays_trampoline_lowered:
0x8: {  	[smem:$0x3FAD] =	sst s0  }
0x9: {  	[smem:$0x3FAE] =	sst s1  }
0xa: {  	[smem:$0x3FAF] =	sst s2  }
0xb: {  	[smem:$0x3FB0] =	sst s3  }
0xc: {  	[smem:$0x3FB1] =	sst s4  }
0xd: {  	[smem:$0x3FB2] =	sst s5  }
0xe: {  	[smem:$0x3FB3] =	sst s6  }
0xf: {  	[smem:$0x3FB4] =	sst s7  }
0x10: {  	[smem:$0x3FB5] =	sst s8  }
0x11: {  	[smem:$0x3FB6] =	sst s9;
	s0 =	simm.s32 @!p0 $0x0  }
0x12: {  	s1 =	sld [smem:$0x3F9C];
	s0 =	simm.s32 @p0 $0x1  }
0x13: {  	[smem:$0x3FB7] =	sst s0;
	s0 =	simm.s32 @!p1 $0x0  }
0x14: {  	s2 =	sld [smem:$0x3F9B];
	s0 =	simm.s32 @p1 $0x1  }
0x15: {  	[smem:$0x3FB8] =	sst s0;
	s0 =	simm.s32 @!p2 $0x0  }
0x16: {  	s3 =	sld [smem:$0x3FDB];
	s0 =	simm.s32 @p2 $0x1  }
0x17: {  	s4 =	simm.s32 $0x1BF5;
	[smem:$0x3FBA] =	sst s0  }
0x18: {  	s0 =	sld [smem:$0x3F9D];
	_ =	swait.ge [sflag:s4], $0x0  }
0x19: {  	s7 =	sld [smem:$0x3F9E]  }
0x1a: {  	s8 =	sadd.s32 $0xFFFFE003, lr  }
0x1b: {  	s9 =	sadd.s32 $0xFFFFFEF7, lr;
	s5 =	simm.s32 $0xFFFFFFFF;
	p2 =	slt.u32 s8, $0xFFFFF086  }
0x1c: {  	p1 =	slt.u32 s9, $0xF7A;
	s5 =	simm.s32 @!p2 $0x0  }
0x1d: {  	s5 =	simm.s32 @p1 $0x1;
	p0 =	seq.s32 s7, s2  }
0x1e: {  	s7 =	smul.u32 @!p0 $0xF7A, s2;
	p2 =	seq.s32 @!p0 s5, $0x0  }
0x1f: {  	s9 =	smul.u32 $0xF7A, s1;
	s8 =	simm.s32 @!p0 $0x1BF5;
	p2 =	por !p2, p0  }
0x20: {  	[sflag:s8] =	ssyncset.s32 @!p0 $0xFFFFF086;
	s6 =	sadd.s32 @!p0 s3, s7;
	s7 =	simm.s32 @!p0 $0x108  }
0x21: {  	s3 =	sadd.s32 s3, s9;
	s6 =	sadd.s32 @!p0 $0x88, s6;
	s7 =	simm.s32 @p2 $0x1082  }
0x22: {  	[simem:s7], [sflag:s8] =	dma.local @!p0 [hbm:s6], $0xF7A  }
0x23: {  	s9 =	sor.u32 $0xD0000000, s2;
	s6 =	simm.s32 $0x108;
	_ =	swait.ge @!p0 [sflag:s8], $0x0  }
0x24: {  	s3 =	sadd.s32 $0x88, s3;
	s6 =	simm.s32 @!p1 $0x1082;
	[sflag:s4] =	ssyncset.s32 $0xFFFFF086  }
0x25: {  	[simem:s6], [sflag:s4] =	dma.local [hbm:s3], $0xF7A  }
0x26: {  	[smem:$0x3F9E] =	sst s1;
	(tag) =	ssettag s2;
	_ =	strace s9  }
0x27: {  	s1 =	sld [smem:$0x3FAE]  }
0x28: {  	s2 =	sld [smem:$0x3FAF]  }
0x29: {  	s4 =	sld [smem:$0x3FB1]  }
0x2a: {  	p0 =	seq.s32 s5, $0x0;
	s5 =	sld [smem:$0x3FB2]  }
0x2b: {  	s6 =	sld [smem:$0x3FB3]  }
0x2c: {  	s7 =	sld [smem:$0x3FB4]  }
0x2d: {  	s3 =	simm.s32 $0x108;
	s8 =	sld [smem:$0x3FB5]  }
0x2e: {  	s3 =	simm.s32 @!p0 $0x1082;
	s9 =	sld [smem:$0x3FB6]  }
0x2f: {  	lr =	sadd.s32 s0, s3;
	s0 =	sld [smem:$0x3FAD]  }
0x30: {  	s3 =	sld [smem:$0x3FB0]  }
0x31: {  	[smem:$0x3FB9] =	sst s10  }
0x32: {  	s10 =	sld [smem:$0x3FB7];
	_ =	sdelay $0x3  }
0x33: {  	p0 =	seq.s32 s10, $0x1;
	s10 =	sld [smem:$0x3FB9];
	_ =	sdelay $0x3  }
0x34: {  	[smem:$0x3FB9] =	sst s10  }
0x35: {  	s10 =	sld [smem:$0x3FB8];
	_ =	sdelay $0x3  }
0x36: {  	p1 =	seq.s32 s10, $0x1;
	s10 =	sld [smem:$0x3FB9];
	_ =	sdelay $0x3  }
0x37: {  	[smem:$0x3FB9] =	sst s10  }
0x38: {  	s10 =	sld [smem:$0x3FBA]  }
0x39: {  	_ = 	snop;
	(pc) =	sbr.ind lr, $3  }
0x3a: {  	_ = 	snop  }
0x3b: {  	_ = 	snop  }
0x3c: {  	p2 =	seq.s32 s10, $0x1;
	s10 =	sld [smem:$0x3FB9]  }
0x3d: {  	_ =	shalt  }
0x3e: {  	_ =	shalt  }
0x3f: {  	_ =	shalt  }
0x40: {  	_ =	shalt  }
0x41: {  	_ =	shalt  }
0x42: {  	_ =	shalt  }
0x43: {  	_ =	shalt  }
0x44: {  	_ =	shalt  }
0x45: {  	_ =	shalt  }
0x46: {  	_ =	shalt  }
0x47: {  	_ =	shalt  }
0x48: {  	_ =	shalt  }
0x49: {  	_ =	shalt  }
0x4a: {  	_ =	shalt  }
0x4b: {  	_ =	shalt  }
0x4c: {  	_ =	shalt  }
0x4d: {  	_ =	shalt  }
0x4e: {  	_ =	shalt  }
0x4f: {  	_ =	shalt  }
0x50: {  	_ =	shalt  }
0x51: {  	_ =	shalt  }
0x52: {  	_ =	shalt  }
0x53: {  	_ =	shalt  }
0x54: {  	_ =	shalt  }
0x55: {  	_ =	shalt  }
0x56: {  	_ =	shalt  }
0x57: {  	_ =	shalt  }
0x58: {  	_ =	shalt  }
0x59: {  	_ =	shalt  }
0x5a: {  	_ =	shalt  }
0x5b: {  	_ =	shalt  }
0x5c: {  	_ =	shalt  }
0x5d: {  	_ =	shalt  }
0x5e: {  	_ =	shalt  }
0x5f: {  	_ =	shalt  }
0x60: {  	_ =	shalt  }
0x61: {  	_ =	shalt  }
0x62: {  	_ =	shalt  }
0x63: {  	_ =	shalt  }
0x64: {  	_ =	shalt  }
0x65: {  	_ =	shalt  }
0x66: {  	_ =	shalt  }
0x67: {  	_ =	shalt  }
0x68: {  	_ =	shalt  }
0x69: {  	_ =	shalt  }
0x6a: {  	_ =	shalt  }
0x6b: {  	_ =	shalt  }
0x6c: {  	_ =	shalt  }
0x6d: {  	_ =	shalt  }
0x6e: {  	_ =	shalt  }
0x6f: {  	_ =	shalt  }
0x70: {  	_ =	shalt  }
0x71: {  	_ =	shalt  }
0x72: {  	_ =	shalt  }
0x73: {  	_ =	shalt  }
0x74: {  	_ =	shalt  }
0x75: {  	_ =	shalt  }
0x76: {  	_ =	shalt  }
0x77: {  	_ =	shalt  }
0x78: {  	_ =	shalt  }
0x79: {  	_ =	shalt  }
0x7a: {  	_ =	shalt  }
0x7b: {  	_ =	shalt  }
0x7c: {  	_ =	shalt  }
0x7d: {  	_ =	shalt  }
0x7e: {  	_ =	shalt  }
0x7f: {  	_ =	shalt  }
0x80: {  	_ =	shalt  }
0x81: {  	_ =	shalt  }
0x82: {  	_ =	shalt  }
0x83: {  	_ =	shalt  }
0x84: {  	_ =	shalt  }
0x85: {  	_ =	shalt  }
0x86: {  	_ =	shalt  }
0x87: {  	_ =	shalt  }
.Lfunc_end0:
.L_simem_size_0:
called_computation_lowered:
.L_overlay_start_0:
0x88: {  	s2 =	sld [smem:$0x3FD9]  }
0x89: {  	s3 =	sld [smem:$0x3FFE];
	_ =	sdelay $0x1  }
0x8a: {  	s1 =	srdreg.scid  }
0x8b: {  	s0 =	sand.u32 $0x1, s1  }
0x8c: {  	s18 =	sshll.u32 s0, $0xA;
	s2 =	sadd.s32 s3, s2  }
0x8d: {  	s2 =	sadd.s32 s2, s18  }
0x8e: {  	[smem:$0x3FC5] =	sst s2  }
0x8f: {  	_ = 	snop  }
0x90: {  	s2 =	sld [smem:$0x3FC8]  }
0x91: {  	s19 =	sld [smem:$0x3FC7]  }
0x92: {  	s4 =	sld [smem:$0x3FD0];
	(tm) =	ssettm $0x1  }
0x93: {  	s5 =	sld [smem:$0x3FFB];
	_ =	sdelay $0x3  }
0x94: {  	_ =	strace s5  }
0x95: {  	s5 =	sld [smem:$0x3FFC];
	_ =	sdelay $0x3  }
0x96: {  	_ =	strace s5  }
0x97: {  	s5 =	sld [smem:$0x3FFD];
	_ =	sdelay $0x3  }
0x98: {  	_ =	strace s5  }
0x99: {  	_ =	strace $0x8FFFFFFF  }
0x9a: {  	s20 =	sld [smem:$0x3FDB];
	_ =	sdelay $0x1  }
0x9b: {  	s6 =	simm.s32 $_scs_section_size  }
0x9c: {  	s7 =	simm.s32 $_size__tile_overlayer_lowered;
	s8 =	simm.s32 $_tile_overlayer_lowered  }
0x9d: {  	s23 =	simm.s32 $0x1BFF;
	s22 =	sshll.u32 s8, $0x1;
	s5 =	sadd.s32 s6, s20  }
0x9e: {  	s9 =	simm.s32 $0x0;
	s21 =	sshll.u32 s7, $0x1;
	s7 =	sadd.s32 s22, s5  }
0x9f: {  	[timem:s9], [sflag:s23] =	dma.local [hbm:s7], s21  }
0xa0: {  	_ =	swait.ge [sflag:s23], s21  }
0xa1: {  	s6 =	ssub.s32 $0x0, s21;
	[sflag:s23] =	ssyncset.done $0x0  }
0xa2: {  	[sflag:s23] =	ssyncadd.s32 s6;
	_ =	sdelay $0x1  }
0xa3: {  	s24 =	simm.s32 $0x1B8B  }
0xa4: {  	_ =	swait.ge [sflag:s24], $0x1  }
0xa5: {  	[sflag:s24] =	ssyncset.done $0x0  }
0xa6: {  	s25 =	simm.s32 $0x1B8E;
	[sflag:s24] =	ssyncadd.s32 $0xFFFFFFFF  }
0xa7: {  	s26 =	simm.s32 $execute0_lowered;
	[smem:$0x3FD2] =	sst s25  }
0xa8: {  	s6 =	sshll.u32 s26, $0x1;
	_ =	strace $0x80000046;
	[dreg:$0x1] =	wrdreg $0xFFFFFFFF  }
0xa9: {  	s28 =	simm.s32 $_size_execute0_lowered;
	s5 =	sadd.s32 s5, s6;
	[dreg:$0x0] =	wrdreg $0x0  }
0xaa: {  	s6 =	sshll.u32 s28, $0x1;
	[dreg:$0x2] =	wrdreg s5  }
0xab: {  	[dreg:$0x3] =	wrdreg s6  }
0xac: {  	[dreg:$0x4] =	wrdreg $0xC0  }
0xad: {  	_ =	task [dreg:s9], $0x5FFFF  }
0xae: {  	[dreg:$0x1] =	wrdreg $0xFFFFFFFF  }
0xaf: {  	[dreg:$0x0] =	wrdreg $0x60  }
0xb0: {  	[dreg:$0x2] =	wrdreg s19  }
0xb1: {  	[dreg:$0x3] =	wrdreg s2  }
0xb2: {  	[dreg:$0x4] =	wrdreg s4  }
0xb3: {  	[dreg:$0x5] =	wrdreg $0x9  }
0xb4: {  	_ =	task.clear_ibuf [dreg:s9], $0x6FFFF;
	_ =	strace $0x90000046  }
0xb5: {  	s29 =	simm.s32 $0x9;
	_ =	strace $0x80000048  }
0xb6: {  	_ =	swait.ge [sflag:s29], $0x1  }
0xb7: {  	[sflag:s29] =	ssyncadd.s32 $0xFFFFFFFF  }
0xb8: {  	_ =	strace $0x90000048  }
0xb9: {  	_ =	sfence  }
0xba: {  	s30 =	sld [smem:$0x0];
	_ =	sdelay $0x2  }
0xbb: {  	s31 =	sshll.u32 s1, $0xD;
	s1 =	sshrl.u32 s1, $0x2  }
0xbc: {  	s3 =	sand.u32 $0x4000, s31;
	s1 =	sadd.s32 s1, s30  }
0xbd: {  	s0 =	sor.u32 s3, s0;
	s1 =	sshll.u32 s1, $0x11  }
0xbe: {  	s0 =	sor.u32 s1, s0  }
0xbf: {  	s0 =	sadd.s32 $0x8F2B, s0  }
0xc0: {  	[sflag:s0] =	ssyncadd.remote.s32 $0x1  }
0xc1: {  	_ =	sfence.sel $0xFFFF  }
0xc2: {  	[dreg:$0x0] =	wrdreg $0xFFFFFFFF;
	(pc) =	sbr.abs _section_cstart, $3  }
0xc3: {  	[dreg:$0x1] =	wrdreg $0xFFFFFFFF  }
0xc4: {  	_ =	task.clear_ibuf [dreg:s9], $0x2FFFF;
	_ =	strace $0x9FFFFFFF  }
0xc5: {  	(tm) =	ssettm $0x7FFFFFFF  }
tec
execute0_lowered:
.L_overlay_start_1:
0x0: {  	(tag) =	ssettag $0x1  }
0x1: {  	s1 =	rddreg [dreg:$0x0]  }
0x2: {  	s2 =	srdreg.scid;
	s4 =	rddreg [dreg:$0x1]  }
0x3: {  	s0 =	stileid.u32;
	s8 =	rddreg [dreg:$0x2];
	s6 =	sand.u32 $0x1, s2  }
0x4: {  	s3 =	simm.s32 $0x0;
	s5 =	sshll.u32 s0, $0x8;
	s7 =	sshll.u32 s6, $0x7  }
0x5: {  	[smem:$0x7FF] =	sst s3;
	s9 =	sor.u32 s7, s5  }
0x6: {  	s2 =	rddreg [dreg:$0x3];
	_ =	strace $0x80000047;
	s5 =	sshrl.u32 s9, $0x3  }
0x7: {  	s10 =	ssub.s32 $0x2, s6;
	s5 =	sadd.s32 s4, s5;
	s4 =	simm.s32 $0x2  }
0x8: {  	[tilespmem:s3], [sflag:$0x2] =	stream.linear.gather [hbm4b:s5+s3], $0x80, $0x38;
	[tilespmem:$0x4080] =	vst v63  }
0x9: {  	s11 =	sshrl.u32 s10, $0x1;
	_ =	swait.ge [sflag:s4], $0x80  }
0xa: {  	s6 =	simm.s32 $0x80;
	s10 =	ssub.s32 s10, s11;
	[sflag:s4] =	ssyncset.done $0x0  }
0xb: {  	s7 =	simm.s32 $0x1;
	s31 =	smax.u32 s10, $0x1;
	[sflag:s4] =	ssyncadd.s32 $0xFFFFFF80  }
0xc: {  	[tilespmem:s6], [sflag:$0x1] =	stream.indirect.gather [hbm4b:s1+s6], $0x80, s3, s6, $0xb8;
	[tilespmem:$0x4080] =	vst v63  }
0xd: {  	p0 =	sne.s32 s31, $0x1;
	_ =	swait.ge [sflag:s7], $0x4000  }
.Ltmp0:
0xe: {  	s9 =	sshll.u32 s9, $0x4;
	[sflag:s7] =	ssyncset.done $0x0;
	(pc) =	sbr.rel @!p0 .LBB2_2-.Ltmp0, $4  }
0xf: {  	s8 =	sadd.s32 s8, s9;
	[sflag:s7] =	ssyncadd.s32 $0xFFFFC000  }
0x10: {  	[hbm4b:s8+s3] =	stream.linear.scatter [tilespmem:s6], [sflag:$0x2], $0x4000, $0x38;
	[tilespmem:$0x4080] =	vst v63  }
0x11: {  	_ =	swait.ge [sflag:s4], $0x4000  }
0x12: {  	s9 =	sadd.s32 $0xFFFFFFFF, s31;
	[sflag:s4] =	ssyncset.done $0x0  }
.LBB2_1:
0x13: {  	p0 =	sne.s32 s9, $0x1;
	s9 =	sadd.s32 $0xFFFFFFFF, s9;
	[sflag:s4] =	ssyncadd.s32 $0xFFFFC000  }
0x14: {  	[tilespmem:s3], [sflag:$0x2] =	stream.linear.gather [hbm4b:s5+s3], $0x80, $0x38;
	[tilespmem:$0x4080] =	vst v63  }
0x15: {  	_ =	swait.ge [sflag:s4], $0x80  }
0x16: {  	[sflag:s4] =	ssyncset.done $0x0  }
0x17: {  	[sflag:s4] =	ssyncadd.s32 $0xFFFFFF80  }
0x18: {  	[tilespmem:s6], [sflag:$0x1] =	stream.indirect.gather [hbm4b:s1+s6], $0x80, s3, s6, $0xb8;
	[tilespmem:$0x4080] =	vst v63  }
0x19: {  	_ =	swait.ge [sflag:s7], $0x4000  }
.Ltmp1:
0x1a: {  	[sflag:s7] =	ssyncset.done $0x0;
	(pc) =	sbr.rel @p0 .LBB2_1-.Ltmp1, $4  }
0x1b: {  	[sflag:s7] =	ssyncadd.s32 $0xFFFFC000  }
0x1c: {  	[hbm4b:s8+s3] =	stream.linear.scatter [tilespmem:s6], [sflag:$0x2], $0x4000, $0x38;
	[tilespmem:$0x4080] =	vst v63  }
0x1d: {  	_ =	swait.ge [sflag:s4], $0x4000  }
0x1e: {  	[sflag:s4] =	ssyncset.done $0x0  }
.LBB2_2:
0x1f: {  	[sflag:s4] =	ssyncadd.s32 $0xFFFFC000  }
0x20: {  	_ =	sfence.sel $0x180000  }
0x21: {  	[bflag:$0x0] =	sbarrier.arrive $0xFFFF  }
0x22: {  	p0 =	sne.s32 s0, $0x0;
	_ =	strace $0x90000047  }
0x23: {  	s0 =	sadd.s32 @!p0 $0x100000, s2;
	[bflag:$0x2] =	sbarrier.arrive $0xFFFF  }
0x24: {  	[sflag:s0] =	ssyncadd.tile.s32 @!p0 $0x1;
	_ =	shalt  }
.Lfunc_end2:
_tile_overlayer_lowered:
.L_overlay_start_2:
0x25: {  	(tag) =	ssettag $0x2  }
0x26: {  	s0 =	rddreg [dreg:$0x0];
	s2 =	stileid.u32  }
0x27: {  	s1 =	rddreg [dreg:$0x1];
	p0 =	sne.s32 s2, $0x0  }
0x28: {  	s3 =	rddreg [dreg:$0x2];
	[bflag:$0x3] =	sbarrier.arrive $0xFFFF;
	s2 =	simm.s32 @!p0 $0x1C02  }
0x29: {  	[timem:s3], [sflag:s2] =	dma.local @!p0 [hbm:s0], s1  }
0x2a: {  	s0 =	simm.s32 @!p0 $0x2  }
0x2b: {  	_ =	swait.ge @!p0 [sflag:s0], s1  }
0x2c: {  	s1 =	ssub.s32 @!p0 $0x0, s1;
	[sflag:s0] =	ssyncset.done @!p0 $0x0  }
0x2d: {  	[sflag:s0] =	ssyncadd.s32 @!p0 s1  }
0x2e: {  	[bflag:$0x3] =	sbarrier.arrive $0xFFFF  }
0x2f: {  	_ =	shalt  }

</sc_bundles>
